<compile_context>
chip_gen: v7x
topology: tpu7x:2x2x1
jax: 0.10.2.dev20260603
libtpu: 0.0.44.dev20260713+nightly
codegen_flags: <defaults>
</compile_context>

<pallas_src>
import functools

import jax
import jax.numpy as jnp
from jax import lax
from jax.experimental import pallas as pl
from jax.experimental.pallas import tpu as pltpu
from jax.experimental.pallas import tpu_sc as plsc

K = 8192
N = 8192
D = 32
TN = 512
GRID = N // TN
COMMIT = 0.25

CHUNK = 2048
NCHUNK = K // CHUNK

NC, NS, L = 2, 16, 16
NW = NC * NS
BPW = N // NW


def _argmin_rowwise(d):
    acc_v = jnp.full((TN,), jnp.inf, jnp.float32)
    acc_i = jnp.zeros((TN,), jnp.int32)
    for c in range(NCHUNK):
        blk = d[:, c * CHUNK:(c + 1) * CHUNK]
        mv = jnp.min(blk, axis=1)
        iota = lax.broadcasted_iota(jnp.int32, (TN, CHUNK), 1)
        mi = jnp.min(jnp.where(blk == mv[:, None], iota, CHUNK), axis=1) + c * CHUNK
        take = mv < acc_v
        acc_i = jnp.where(take, mi, acc_i)
        acc_v = jnp.where(take, mv.astype(jnp.bfloat16).astype(jnp.float32), acc_v)
    return acc_i


def _vq_main(x_ref, w_ref, xsq_ref, wsq_ref, idx_ref, counts_ref):
    x = x_ref[...]
    w = w_ref[...]
    mm = lax.dot_general(
        x, w, dimension_numbers=(((1,), (1,)), ((), ())),
        preferred_element_type=jnp.float32)
    d = (xsq_ref[...].reshape(TN, 1) - (mm + mm)) + wsq_ref[...]
    idx = _argmin_rowwise(d)
    idx_ref[...] = idx.reshape(1, 1, TN)
    oh = (lax.broadcasted_iota(jnp.int32, (TN, K), 1)
          == idx.reshape(TN, 1)).astype(jnp.float32)
    part = lax.dot_general(
        jnp.ones((1, TN), jnp.float32), oh,
        dimension_numbers=(((1,), (0,)), ((), ())),
        preferred_element_type=jnp.float32)

    @pl.when(pl.program_id(0) == 0)
    def _init():
        counts_ref[...] = part

    @pl.when(pl.program_id(0) != 0)
    def _acc():
        counts_ref[...] = counts_ref[...] + part


DP = 128


def _sc_gather(w_hbm, idx_hbm, q_hbm, idx_v, rows_v, sem):
    wid = lax.axis_index("s") * NC + lax.axis_index("c")
    base = wid * BPW
    pltpu.sync_copy(idx_hbm.at[pl.ds(base, BPW)], idx_v)
    pltpu.async_copy(w_hbm.at[idx_v], rows_v, sem).wait()
    pltpu.sync_copy(rows_v, q_hbm.at[pl.ds(base, BPW)])


def _vq_stats(x_ref, q_ref, counts_ref, qst_ref, loss_ref, cl_ref, cbl_ref,
              perp_ref, usage_ref):
    x = x_ref[...]
    q = q_ref[...].astype(jnp.bfloat16).astype(jnp.float32)
    qst_ref[...] = x + (q - x)
    msq = jnp.mean((q - x) ** 2)
    cl_ref[...] = msq.reshape(1, 1)
    cbl_ref[...] = msq.reshape(1, 1)
    loss_ref[...] = (msq + COMMIT * msq).reshape(1, 1)
    counts = counts_ref[...]
    p = counts / jnp.float32(N)
    ent = -jnp.sum(p * jnp.log(p + 1e-10))
    perp_ref[...] = jnp.exp(ent).reshape(1, 1)
    usage_ref[...] = jnp.mean((counts > 0).astype(jnp.float32)).reshape(1, 1)


@jax.jit
def kernel(inputs, weight):
    xsq = jnp.sum(inputs ** 2, axis=1, keepdims=True)
    wsq = jnp.sum(weight ** 2, axis=1)

    idx3, counts = pl.pallas_call(
        _vq_main,
        grid=(GRID,),
        in_specs=[
            pl.BlockSpec((TN, D), lambda i: (i, 0)),
            pl.BlockSpec((K, D), lambda i: (0, 0)),
            pl.BlockSpec((TN, 1), lambda i: (i, 0)),
            pl.BlockSpec((1, K), lambda i: (0, 0)),
        ],
        out_specs=[
            pl.BlockSpec((1, 1, TN), lambda i: (i, 0, 0)),
            pl.BlockSpec((1, K), lambda i: (0, 0)),
        ],
        out_shape=[
            jax.ShapeDtypeStruct((GRID, 1, TN), jnp.int32),
            jax.ShapeDtypeStruct((1, K), jnp.float32),
        ],
    )(inputs, weight, xsq, wsq.reshape(1, K))
    encoding_indices = idx3.reshape(N)

    mesh = plsc.VectorSubcoreMesh(core_axis_name="c", subcore_axis_name="s")
    wpad = jnp.pad(weight, ((0, 0), (0, DP - D)))
    qpad = pl.kernel(
        _sc_gather,
        mesh=mesh,
        out_type=jax.ShapeDtypeStruct((N, DP), jnp.float32),
        scratch_types=[
            pltpu.VMEM((BPW,), jnp.int32),
            pltpu.VMEM((BPW, DP), jnp.float32),
            pltpu.SemaphoreType.DMA,
        ],
    )(wpad, encoding_indices)
    quantized = qpad[:, :D]

    qst, loss, cl, cbl, perp, usage = pl.pallas_call(
        _vq_stats,
        out_shape=[
            jax.ShapeDtypeStruct((N, D), jnp.float32),
            jax.ShapeDtypeStruct((1, 1), jnp.float32),
            jax.ShapeDtypeStruct((1, 1), jnp.float32),
            jax.ShapeDtypeStruct((1, 1), jnp.float32),
            jax.ShapeDtypeStruct((1, 1), jnp.float32),
            jax.ShapeDtypeStruct((1, 1), jnp.float32),
        ],
    )(inputs, quantized, counts)

    return (qst, encoding_indices, loss[0, 0], cl[0, 0], cbl[0, 0],
            perp[0, 0], usage[0, 0])

# --- scband reference (transcript-rebuilt; emitter-appended) ---
"""Pipeline reference for scband-vector-quantizer-51410758533496 (READ-ONLY COPY).

The authoritative reference and input builder live on the scoring server;
editing this copy changes nothing except your own understanding.
"""

import jax, jax.numpy as jnp
import numpy as np

NUM_EMBEDDINGS = 8192
EMBEDDING_DIM = 32
COMMITMENT_COST = 0.25


def setup_inputs(seed: int = 0) -> dict:
    key = jax.random.key(seed)
    k1, k2 = jax.random.split(key)
    inputs = jax.random.normal(k1, (8192, EMBEDDING_DIM), dtype=jnp.float32)
    # nn.Embedding weight initialized uniform(-1/K, 1/K)
    weight = jax.random.uniform(
        k2, (NUM_EMBEDDINGS, EMBEDDING_DIM),
        minval=-1.0 / NUM_EMBEDDINGS, maxval=1.0 / NUM_EMBEDDINGS,
        dtype=jnp.float32,
    )
    return {"inputs": inputs, "weight": weight}


def reference(inputs, weight):
    # distances: ||x||^2 - 2 x W^T + ||w||^2  -> [N, K]
    distances = (
        jnp.sum(inputs ** 2, axis=1, keepdims=True)
        - 2.0 * jnp.matmul(inputs, weight.T)
        + jnp.sum(weight ** 2, axis=1)
    )
    encoding_indices = jnp.argmin(distances, axis=1)
    encodings = jax.nn.one_hot(encoding_indices, NUM_EMBEDDINGS, dtype=jnp.float32)
    quantized = jnp.matmul(encodings, weight)

    commitment_loss = jnp.mean((jax.lax.stop_gradient(quantized) - inputs) ** 2)
    codebook_loss = jnp.mean((quantized - jax.lax.stop_gradient(inputs)) ** 2)
    loss = codebook_loss + COMMITMENT_COST * commitment_loss

    # straight-through estimator
    quantized_st = inputs + jax.lax.stop_gradient(quantized - inputs)

    avg_probs = jnp.mean(encodings, axis=0)
    perplexity = jnp.exp(-jnp.sum(avg_probs * jnp.log(avg_probs + 1e-10)))
    usage_rate = jnp.mean((jnp.sum(encodings, axis=0) > 0).astype(jnp.float32))

    return (quantized_st, encoding_indices, loss, commitment_loss, codebook_loss, perplexity, usage_rate)

if __name__ == "__main__":
    import jax
    _d = setup_inputs()
    print(jax.jit(kernel)(*tuple(_d.values())))

</pallas_src>

<mosaic_0001>
#map = affine_map<(d0, d1) -> (0, 0)>
#map1 = affine_map<(d0, d1) -> (0)>
module attributes {stable_mosaic.version = 14 : i64} {
  func.func @_sc_gather(%arg0: i32, %arg1: i32, %arg2: memref<8192x128xf32, #tpu.memory_space<hbm>>, %arg3: memref<8192xi32, #tpu.memory_space<hbm>>, %arg4: memref<8192x128xf32, #tpu.memory_space<hbm>>, %arg5: memref<256xi32, #tpu.memory_space<vmem>>, %arg6: memref<256x128xf32, #tpu.memory_space<vmem>>, %arg7: memref<!tpu.dma_semaphore, #tpu.memory_space<semaphore_mem>>) attributes {dimension_semantics = [#tpu.dimension_semantics<core_parallel>, #tpu.dimension_semantics<subcore_parallel>], iteration_bounds = array<i64: 2, 16>, scalar_prefetch = 0 : i64, scratch_operands = 3 : i64, tpu.core_type = #tpu.core_type<sc_vector_subcore>, window_params = [{transform_indices = #map}, {transform_indices = #map1}, {transform_indices = #map}]} {
    %mul3A = arith.constant 2 : i32
    %mul3A_0 = arith.muli %arg1, %mul3A : i32
    %add3A = arith.addi %mul3A_0, %arg0 : i32
    %mul3A_1 = arith.constant 256 : i32
    %mul3A_2 = arith.muli %add3A, %mul3A_1 : i32
    "tpu.region"() ({
      %run_scoped3A = tpu.sem_alloc : memref<!tpu.dma_semaphore, #tpu.memory_space<semaphore_mem>>
      %dma_start3A_7 = tpu.memref_slice %arg3[%mul3A_2] : memref<8192xi32, #tpu.memory_space<hbm>> -> memref<256xi32, #tpu.memory_space<hbm>>
      %dma_start3A_8 = tpu.memref_slice %arg3[%mul3A_2] : memref<8192xi32, #tpu.memory_space<hbm>> -> memref<256xi32, #tpu.memory_space<hbm>>
      tpu.enqueue_dma source(%dma_start3A_8 : memref<256xi32, #tpu.memory_space<hbm>>) target(%arg5 : memref<256xi32, #tpu.memory_space<vmem>>) target_semaphore(%run_scoped3A : memref<!tpu.dma_semaphore, #tpu.memory_space<semaphore_mem>>)
      %dma_wait3A_9 = tpu.memref_slice %arg3[%mul3A_2] : memref<8192xi32, #tpu.memory_space<hbm>> -> memref<256xi32, #tpu.memory_space<hbm>>
      %dma_wait3A_10 = tpu.memref_slice %arg3[%mul3A_2] : memref<8192xi32, #tpu.memory_space<hbm>> -> memref<256xi32, #tpu.memory_space<hbm>>
      tpu.wait_dma2 semaphore(%run_scoped3A : memref<!tpu.dma_semaphore, #tpu.memory_space<semaphore_mem>>) src(%dma_wait3A_10 : memref<256xi32, #tpu.memory_space<hbm>>) dst(%arg5 : memref<256xi32, #tpu.memory_space<vmem>>)
      tpu.yield
    }) : () -> ()
    %dma_start3A = arith.constant 0 : i32
    %dma_start3A_3 = arith.constant 0 : i32
    %dma_start3A_4 = tpu.memref_slice %arg2[%dma_start3A, %dma_start3A_3] : memref<8192x128xf32, #tpu.memory_space<hbm>> -> memref<8192x128xf32, #tpu.memory_space<hbm>>
    tpu.enqueue_indirect_dma source(%dma_start3A_4 : memref<8192x128xf32, #tpu.memory_space<hbm>>) target(%arg6 : memref<256x128xf32, #tpu.memory_space<vmem>>) offsets(%arg5 : memref<256xi32, #tpu.memory_space<vmem>>) semaphore(%arg7 : memref<!tpu.dma_semaphore, #tpu.memory_space<semaphore_mem>>)
    %dma_wait3A = arith.constant 0 : i32
    %dma_wait3A_5 = arith.constant 0 : i32
    %dma_wait3A_6 = tpu.memref_slice %arg2[%dma_wait3A, %dma_wait3A_5] : memref<8192x128xf32, #tpu.memory_space<hbm>> -> memref<8192x128xf32, #tpu.memory_space<hbm>>
    tpu.wait_indirect_dma semaphore(%arg7 : memref<!tpu.dma_semaphore, #tpu.memory_space<semaphore_mem>>) src(%dma_wait3A_6 : memref<8192x128xf32, #tpu.memory_space<hbm>>) dst(%arg6 : memref<256x128xf32, #tpu.memory_space<vmem>>)
    "tpu.region"() ({
      %run_scoped3A = tpu.sem_alloc : memref<!tpu.dma_semaphore, #tpu.memory_space<semaphore_mem>>
      %dma_start3A_7 = arith.constant 0 : i32
      %dma_start3A_8 = tpu.memref_slice %arg4[%mul3A_2, %dma_start3A_7] : memref<8192x128xf32, #tpu.memory_space<hbm>> -> memref<256x128xf32, #tpu.memory_space<hbm>>
      %dma_start3A_9 = arith.constant 0 : i32
      %dma_start3A_10 = tpu.memref_slice %arg4[%mul3A_2, %dma_start3A_9] : memref<8192x128xf32, #tpu.memory_space<hbm>> -> memref<256x128xf32, #tpu.memory_space<hbm>>
      tpu.enqueue_dma source(%arg6 : memref<256x128xf32, #tpu.memory_space<vmem>>) target(%dma_start3A_10 : memref<256x128xf32, #tpu.memory_space<hbm>>) target_semaphore(%run_scoped3A : memref<!tpu.dma_semaphore, #tpu.memory_space<semaphore_mem>>)
      %dma_wait3A_11 = arith.constant 0 : i32
      %dma_wait3A_12 = tpu.memref_slice %arg4[%mul3A_2, %dma_wait3A_11] : memref<8192x128xf32, #tpu.memory_space<hbm>> -> memref<256x128xf32, #tpu.memory_space<hbm>>
      %dma_wait3A_13 = arith.constant 0 : i32
      %dma_wait3A_14 = tpu.memref_slice %arg4[%mul3A_2, %dma_wait3A_13] : memref<8192x128xf32, #tpu.memory_space<hbm>> -> memref<256x128xf32, #tpu.memory_space<hbm>>
      tpu.wait_dma2 semaphore(%run_scoped3A : memref<!tpu.dma_semaphore, #tpu.memory_space<semaphore_mem>>) src(%arg6 : memref<256x128xf32, #tpu.memory_space<vmem>>) dst(%dma_wait3A_14 : memref<256x128xf32, #tpu.memory_space<hbm>>)
      tpu.yield
    }) : () -> ()
    return
  }
}

module attributes {stable_mosaic.version = 14 : i64} {
  func.func @_vq_main(%arg0: i32, %arg1: memref<512x32xf32, #tpu.memory_space<vmem>>, %arg2: memref<8192x32xf32, #tpu.memory_space<vmem>>, %arg3: memref<512x1xf32, #tpu.memory_space<vmem>>, %arg4: memref<1x8192xf32, #tpu.memory_space<vmem>>, %arg5: memref<1x1x512xi32, #tpu.memory_space<vmem>>, %arg6: memref<1x8192xf32, #tpu.memory_space<vmem>>) attributes {dimension_semantics = [#tpu.dimension_semantics<arbitrary>], iteration_bounds = array<i64: 16>, scalar_prefetch = 0 : i64, scratch_operands = 0 : i64, tpu.core_type = #tpu.core_type<tc>, window_params = [{transform_indices = @transform_0, window_bounds = array<i64: 512, 32>}, {pipeline_mode = #tpu.pipeline_mode<synchronous>, transform_indices = @transform_1, window_bounds = array<i64: 8192, 32>}, {transform_indices = @transform_2, window_bounds = array<i64: 512, 1>}, {pipeline_mode = #tpu.pipeline_mode<synchronous>, transform_indices = @transform_3, window_bounds = array<i64: 1, 8192>}, {transform_indices = @transform_4, window_bounds = array<i64: 1, 1, 512>}, {pipeline_mode = #tpu.pipeline_mode<synchronous>, transform_indices = @transform_5, window_bounds = array<i64: 1, 8192>}]} {
    %get3A = arith.constant 0 : index
    %get3A_0 = arith.constant 0 : index
    %get3A_1 = vector.load %arg1[%get3A, %get3A_0] : memref<512x32xf32, #tpu.memory_space<vmem>>, vector<512x32xf32>
    %get3A_2 = arith.constant 0 : index
    %get3A_3 = arith.constant 0 : index
    %get3A_4 = vector.load %arg2[%get3A_2, %get3A_3] : memref<8192x32xf32, #tpu.memory_space<vmem>>, vector<8192x32xf32>
    %dot_general3A = arith.constant dense<0.000000e+00> : vector<512x8192xf32>
    %dot_general3A_5 = tpu.matmul %get3A_1, %get3A_4, %dot_general3A {dimension_numbers = #tpu.dot_dimension_numbers<[1], [1], [0], [0], [0, 0, 1, 0], [], []>, transpose_lhs_hint = false} : vector<512x32xf32>, vector<8192x32xf32>, vector<512x8192xf32> -> vector<512x8192xf32>
    %get3A_6 = arith.constant 0 : index
    %get3A_7 = arith.constant 0 : index
    %get3A_8 = vector.load %arg3[%get3A_6, %get3A_7] : memref<512x1xf32, #tpu.memory_space<vmem>>, vector<512x1xf32>
    %add3A = arith.addf %dot_general3A_5, %dot_general3A_5 : vector<512x8192xf32>
    %sub3A = vector.broadcast %get3A_8 : vector<512x1xf32> to vector<512x8192xf32>
    %sub3A_9 = arith.subf %sub3A, %add3A : vector<512x8192xf32>
    %get3A_10 = arith.constant 0 : index
    %get3A_11 = arith.constant 0 : index
    %get3A_12 = vector.load %arg4[%get3A_10, %get3A_11] : memref<1x8192xf32, #tpu.memory_space<vmem>>, vector<1x8192xf32>
    %add3A_13 = vector.broadcast %get3A_12 : vector<1x8192xf32> to vector<512x8192xf32>
    %add3A_14 = arith.addf %sub3A_9, %add3A_13 : vector<512x8192xf32>
    %broadcast_in_dim3A = arith.constant 0x7F800000 : f32
    %broadcast_in_dim3A_15 = vector.broadcast %broadcast_in_dim3A : f32 to vector<512xf32>
    %broadcast_in_dim3A_16 = arith.constant 0 : i32
    %broadcast_in_dim3A_17 = vector.broadcast %broadcast_in_dim3A_16 : i32 to vector<512xi32>
    %slice3A = vector.extract_strided_slice %add3A_14 {offsets = [0, 0], sizes = [512, 2048], strides = [1, 1]} : vector<512x8192xf32> to vector<512x2048xf32>
    %reduce_min3A = arith.constant dense<0x7F800000> : vector<512xf32>
    %reduce_min3A_18 = vector.multi_reduction <minimumf>, %slice3A, %reduce_min3A [1] : vector<512x2048xf32> to vector<512xf32>
    %iota3A = tpu.iota {dimensions = array<i32: 1>} : vector<512x2048xi32>
    %broadcast_in_dim3A_19 = vector.shape_cast %reduce_min3A_18 : vector<512xf32> to vector<512x1xf32>
    %eq3A = vector.broadcast %broadcast_in_dim3A_19 : vector<512x1xf32> to vector<512x2048xf32>
    %eq3A_20 = arith.cmpf oeq, %slice3A, %eq3A : vector<512x2048xf32>
    %jit3A = arith.constant 2048 : i32
    %broadcast_in_dim3A_21 = vector.broadcast %jit3A : i32 to vector<512x2048xi32>
    %select_n3A = arith.select %eq3A_20, %iota3A, %broadcast_in_dim3A_21 : vector<512x2048xi1>, vector<512x2048xi32>
    %reduce_min3A_22 = arith.constant dense<2147483647> : vector<512xi32>
    %reduce_min3A_23 = vector.multi_reduction <minsi>, %select_n3A, %reduce_min3A_22 [1] : vector<512x2048xi32> to vector<512xi32>
    %add3A_24 = arith.constant 0 : i32
    %add3A_25 = vector.broadcast %add3A_24 : i32 to vector<512xi32>
    %add3A_26 = arith.addi %reduce_min3A_23, %add3A_25 : vector<512xi32>
    %lt3A = arith.cmpf olt, %reduce_min3A_18, %broadcast_in_dim3A_15 : vector<512xf32>
    %select_n3A_27 = arith.select %lt3A, %add3A_26, %broadcast_in_dim3A_17 : vector<512xi1>, vector<512xi32>
    %convert_element_type3A = arith.truncf %reduce_min3A_18 : vector<512xf32> to vector<512xbf16>
    %convert_element_type3A_28 = arith.extf %convert_element_type3A : vector<512xbf16> to vector<512xf32>
    %select_n3A_29 = arith.select %lt3A, %convert_element_type3A_28, %broadcast_in_dim3A_15 : vector<512xi1>, vector<512xf32>
    %slice3A_30 = vector.extract_strided_slice %add3A_14 {offsets = [0, 2048], sizes = [512, 2048], strides = [1, 1]} : vector<512x8192xf32> to vector<512x2048xf32>
    %reduce_min3A_31 = arith.constant dense<0x7F800000> : vector<512xf32>
    %reduce_min3A_32 = vector.multi_reduction <minimumf>, %slice3A_30, %reduce_min3A_31 [1] : vector<512x2048xf32> to vector<512xf32>
    %iota3A_33 = tpu.iota {dimensions = array<i32: 1>} : vector<512x2048xi32>
    %broadcast_in_dim3A_34 = vector.shape_cast %reduce_min3A_32 : vector<512xf32> to vector<512x1xf32>
    %eq3A_35 = vector.broadcast %broadcast_in_dim3A_34 : vector<512x1xf32> to vector<512x2048xf32>
    %eq3A_36 = arith.cmpf oeq, %slice3A_30, %eq3A_35 : vector<512x2048xf32>
    %jit3A_37 = arith.constant 2048 : i32
    %broadcast_in_dim3A_38 = vector.broadcast %jit3A_37 : i32 to vector<512x2048xi32>
    %select_n3A_39 = arith.select %eq3A_36, %iota3A_33, %broadcast_in_dim3A_38 : vector<512x2048xi1>, vector<512x2048xi32>
    %reduce_min3A_40 = arith.constant dense<2147483647> : vector<512xi32>
    %reduce_min3A_41 = vector.multi_reduction <minsi>, %select_n3A_39, %reduce_min3A_40 [1] : vector<512x2048xi32> to vector<512xi32>
    %add3A_42 = arith.constant 2048 : i32
    %add3A_43 = vector.broadcast %add3A_42 : i32 to vector<512xi32>
    %add3A_44 = arith.addi %reduce_min3A_41, %add3A_43 : vector<512xi32>
    %lt3A_45 = arith.cmpf olt, %reduce_min3A_32, %select_n3A_29 : vector<512xf32>
    %select_n3A_46 = arith.select %lt3A_45, %add3A_44, %select_n3A_27 : vector<512xi1>, vector<512xi32>
    %convert_element_type3A_47 = arith.truncf %reduce_min3A_32 : vector<512xf32> to vector<512xbf16>
    %convert_element_type3A_48 = arith.extf %convert_element_type3A_47 : vector<512xbf16> to vector<512xf32>
    %select_n3A_49 = arith.select %lt3A_45, %convert_element_type3A_48, %select_n3A_29 : vector<512xi1>, vector<512xf32>
    %slice3A_50 = vector.extract_strided_slice %add3A_14 {offsets = [0, 4096], sizes = [512, 2048], strides = [1, 1]} : vector<512x8192xf32> to vector<512x2048xf32>
    %reduce_min3A_51 = arith.constant dense<0x7F800000> : vector<512xf32>
    %reduce_min3A_52 = vector.multi_reduction <minimumf>, %slice3A_50, %reduce_min3A_51 [1] : vector<512x2048xf32> to vector<512xf32>
    %iota3A_53 = tpu.iota {dimensions = array<i32: 1>} : vector<512x2048xi32>
    %broadcast_in_dim3A_54 = vector.shape_cast %reduce_min3A_52 : vector<512xf32> to vector<512x1xf32>
    %eq3A_55 = vector.broadcast %broadcast_in_dim3A_54 : vector<512x1xf32> to vector<512x2048xf32>
    %eq3A_56 = arith.cmpf oeq, %slice3A_50, %eq3A_55 : vector<512x2048xf32>
    %jit3A_57 = arith.constant 2048 : i32
    %broadcast_in_dim3A_58 = vector.broadcast %jit3A_57 : i32 to vector<512x2048xi32>
    %select_n3A_59 = arith.select %eq3A_56, %iota3A_53, %broadcast_in_dim3A_58 : vector<512x2048xi1>, vector<512x2048xi32>
    %reduce_min3A_60 = arith.constant dense<2147483647> : vector<512xi32>
    %reduce_min3A_61 = vector.multi_reduction <minsi>, %select_n3A_59, %reduce_min3A_60 [1] : vector<512x2048xi32> to vector<512xi32>
    %add3A_62 = arith.constant 4096 : i32
    %add3A_63 = vector.broadcast %add3A_62 : i32 to vector<512xi32>
    %add3A_64 = arith.addi %reduce_min3A_61, %add3A_63 : vector<512xi32>
    %lt3A_65 = arith.cmpf olt, %reduce_min3A_52, %select_n3A_49 : vector<512xf32>
    %select_n3A_66 = arith.select %lt3A_65, %add3A_64, %select_n3A_46 : vector<512xi1>, vector<512xi32>
    %convert_element_type3A_67 = arith.truncf %reduce_min3A_52 : vector<512xf32> to vector<512xbf16>
    %convert_element_type3A_68 = arith.extf %convert_element_type3A_67 : vector<512xbf16> to vector<512xf32>
    %select_n3A_69 = arith.select %lt3A_65, %convert_element_type3A_68, %select_n3A_49 : vector<512xi1>, vector<512xf32>
    %slice3A_70 = vector.extract_strided_slice %add3A_14 {offsets = [0, 6144], sizes = [512, 2048], strides = [1, 1]} : vector<512x8192xf32> to vector<512x2048xf32>
    %reduce_min3A_71 = arith.constant dense<0x7F800000> : vector<512xf32>
    %reduce_min3A_72 = vector.multi_reduction <minimumf>, %slice3A_70, %reduce_min3A_71 [1] : vector<512x2048xf32> to vector<512xf32>
    %iota3A_73 = tpu.iota {dimensions = array<i32: 1>} : vector<512x2048xi32>
    %broadcast_in_dim3A_74 = vector.shape_cast %reduce_min3A_72 : vector<512xf32> to vector<512x1xf32>
    %eq3A_75 = vector.broadcast %broadcast_in_dim3A_74 : vector<512x1xf32> to vector<512x2048xf32>
    %eq3A_76 = arith.cmpf oeq, %slice3A_70, %eq3A_75 : vector<512x2048xf32>
    %jit3A_77 = arith.constant 2048 : i32
    %broadcast_in_dim3A_78 = vector.broadcast %jit3A_77 : i32 to vector<512x2048xi32>
    %select_n3A_79 = arith.select %eq3A_76, %iota3A_73, %broadcast_in_dim3A_78 : vector<512x2048xi1>, vector<512x2048xi32>
    %reduce_min3A_80 = arith.constant dense<2147483647> : vector<512xi32>
    %reduce_min3A_81 = vector.multi_reduction <minsi>, %select_n3A_79, %reduce_min3A_80 [1] : vector<512x2048xi32> to vector<512xi32>
    %add3A_82 = arith.constant 6144 : i32
    %add3A_83 = vector.broadcast %add3A_82 : i32 to vector<512xi32>
    %add3A_84 = arith.addi %reduce_min3A_81, %add3A_83 : vector<512xi32>
    %lt3A_85 = arith.cmpf olt, %reduce_min3A_72, %select_n3A_69 : vector<512xf32>
    %select_n3A_86 = arith.select %lt3A_85, %add3A_84, %select_n3A_66 : vector<512xi1>, vector<512xi32>
    %reshape3A = vector.shape_cast %select_n3A_86 : vector<512xi32> to vector<1x1x512xi32>
    %swap3A = arith.constant 0 : index
    %swap3A_87 = arith.constant 0 : index
    %swap3A_88 = arith.constant 0 : index
    %swap3A_89 = vector.load %arg5[%swap3A, %swap3A_87, %swap3A_88] : memref<1x1x512xi32, #tpu.memory_space<vmem>>, vector<1x1x512xi32>
    tpu.vector_store %arg5[%swap3A, %swap3A_87, %swap3A_88], %reshape3A {strides = array<i32>} : memref<1x1x512xi32, #tpu.memory_space<vmem>>, vector<1x1x512xi32>,
    %iota3A_90 = tpu.iota {dimensions = array<i32: 1>} : vector<512x8192xi32>
    %reshape3A_91 = vector.shape_cast %select_n3A_86 : vector<512xi32> to vector<512x1xi32>
    %eq3A_92 = vector.broadcast %reshape3A_91 : vector<512x1xi32> to vector<512x8192xi32>
    %eq3A_93 = arith.cmpi eq, %iota3A_90, %eq3A_92 : vector<512x8192xi32>
    %convert_element_type3A_94 = arith.extui %eq3A_93 : vector<512x8192xi1> to vector<512x8192xi32>
    %convert_element_type3A_95 = arith.sitofp %convert_element_type3A_94 : vector<512x8192xi32> to vector<512x8192xf32>
    %broadcast_in_dim3A_96 = arith.constant 1.000000e+00 : f32
    %broadcast_in_dim3A_97 = vector.broadcast %broadcast_in_dim3A_96 : f32 to vector<1x512xf32>
    %dot_general3A_98 = arith.constant dense<0.000000e+00> : vector<1x8192xf32>
    %dot_general3A_99 = tpu.matmul %broadcast_in_dim3A_97, %convert_element_type3A_95, %dot_general3A_98 {dimension_numbers = #tpu.dot_dimension_numbers<[1], [0], [0], [1], [0, 0, 1, 1], [], []>, transpose_lhs_hint = false} : vector<1x512xf32>, vector<512x8192xf32>, vector<1x8192xf32> -> vector<1x8192xf32>
    %eq3A_100 = arith.constant 0 : i32
    %eq3A_101 = arith.cmpi eq, %arg0, %eq3A_100 : i32
    %convert_element_type3A_102 = arith.extui %eq3A_101 : i1 to i32
    %cond3A = arith.constant 0 : i32
    %cond3A_103 = arith.cmpi ne, %convert_element_type3A_102, %cond3A : i32
    scf.if %cond3A_103 {
      %swap3A_108 = arith.constant 0 : index
      %swap3A_109 = arith.constant 0 : index
      %swap3A_110 = vector.load %arg6[%swap3A_108, %swap3A_109] : memref<1x8192xf32, #tpu.memory_space<vmem>>, vector<1x8192xf32>
      tpu.vector_store %arg6[%swap3A_108, %swap3A_109], %dot_general3A_99 {strides = array<i32>} : memref<1x8192xf32, #tpu.memory_space<vmem>>, vector<1x8192xf32>,
    } else {
    }
    %ne3A = arith.constant 0 : i32
    %ne3A_104 = arith.cmpi ne, %arg0, %ne3A : i32
    %convert_element_type3A_105 = arith.extui %ne3A_104 : i1 to i32
    %cond3A_106 = arith.constant 0 : i32
    %cond3A_107 = arith.cmpi ne, %convert_element_type3A_105, %cond3A_106 : i32
    scf.if %cond3A_107 {
      %get3A_108 = arith.constant 0 : index
      %get3A_109 = arith.constant 0 : index
      %get3A_110 = vector.load %arg6[%get3A_108, %get3A_109] : memref<1x8192xf32, #tpu.memory_space<vmem>>, vector<1x8192xf32>
      %add3A_111 = arith.addf %get3A_110, %dot_general3A_99 : vector<1x8192xf32>
      %swap3A_112 = arith.constant 0 : index
      %swap3A_113 = arith.constant 0 : index
      %swap3A_114 = vector.load %arg6[%swap3A_112, %swap3A_113] : memref<1x8192xf32, #tpu.memory_space<vmem>>, vector<1x8192xf32>
      tpu.vector_store %arg6[%swap3A_112, %swap3A_113], %add3A_111 {strides = array<i32>} : memref<1x8192xf32, #tpu.memory_space<vmem>>, vector<1x8192xf32>,
    } else {
    }
    return
  }
  func.func @transform_0(%arg0: i32) -> (i32, i32) {
    %c0_i32 = arith.constant 0 : i32
    %c0_i32_0 = arith.constant 0 : i32
    return %arg0, %c0_i32 : i32, i32
  }
  func.func @transform_1(%arg0: i32) -> (i32, i32) {
    %c0_i32 = arith.constant 0 : i32
    %c0_i32_0 = arith.constant 0 : i32
    %c0_i32_1 = arith.constant 0 : i32
    return %c0_i32, %c0_i32_0 : i32, i32
  }
  func.func @transform_2(%arg0: i32) -> (i32, i32) {
    %c0_i32 = arith.constant 0 : i32
    %c0_i32_0 = arith.constant 0 : i32
    return %arg0, %c0_i32 : i32, i32
  }
  func.func @transform_3(%arg0: i32) -> (i32, i32) {
    %c0_i32 = arith.constant 0 : i32
    %c0_i32_0 = arith.constant 0 : i32
    %c0_i32_1 = arith.constant 0 : i32
    return %c0_i32, %c0_i32_0 : i32, i32
  }
  func.func @transform_4(%arg0: i32) -> (i32, i32, i32) {
    %c0_i32 = arith.constant 0 : i32
    %c0_i32_0 = arith.constant 0 : i32
    %c0_i32_1 = arith.constant 0 : i32
    return %arg0, %c0_i32, %c0_i32_0 : i32, i32, i32
  }
  func.func @transform_5(%arg0: i32) -> (i32, i32) {
    %c0_i32 = arith.constant 0 : i32
    %c0_i32_0 = arith.constant 0 : i32
    %c0_i32_1 = arith.constant 0 : i32
    return %c0_i32, %c0_i32_0 : i32, i32
  }
}

module attributes {stable_mosaic.version = 14 : i64} {
  func.func @_vq_stats(%arg0: memref<8192x32xf32, #tpu.memory_space<vmem>>, %arg1: memref<8192x32xf32, #tpu.memory_space<vmem>>, %arg2: memref<1x8192xf32, #tpu.memory_space<vmem>>, %arg3: memref<8192x32xf32, #tpu.memory_space<vmem>>, %arg4: memref<1x1xf32, #tpu.memory_space<vmem>>, %arg5: memref<1x1xf32, #tpu.memory_space<vmem>>, %arg6: memref<1x1xf32, #tpu.memory_space<vmem>>, %arg7: memref<1x1xf32, #tpu.memory_space<vmem>>, %arg8: memref<1x1xf32, #tpu.memory_space<vmem>>) attributes {dimension_semantics = [], scalar_prefetch = 0 : i64, scratch_operands = 0 : i64, tpu.core_type = #tpu.core_type<tc>} {
    %get3A = arith.constant 0 : index
    %get3A_0 = arith.constant 0 : index
    %get3A_1 = vector.load %arg0[%get3A, %get3A_0] : memref<8192x32xf32, #tpu.memory_space<vmem>>, vector<8192x32xf32>
    %get3A_2 = arith.constant 0 : index
    %get3A_3 = arith.constant 0 : index
    %get3A_4 = vector.load %arg1[%get3A_2, %get3A_3] : memref<8192x32xf32, #tpu.memory_space<vmem>>, vector<8192x32xf32>
    %convert_element_type3A = arith.truncf %get3A_4 : vector<8192x32xf32> to vector<8192x32xbf16>
    %convert_element_type3A_5 = arith.extf %convert_element_type3A : vector<8192x32xbf16> to vector<8192x32xf32>
    %sub3A = arith.subf %convert_element_type3A_5, %get3A_1 : vector<8192x32xf32>
    %add3A = arith.addf %get3A_1, %sub3A : vector<8192x32xf32>
    %swap3A = arith.constant 0 : index
    %swap3A_6 = arith.constant 0 : index
    %swap3A_7 = vector.load %arg3[%swap3A, %swap3A_6] : memref<8192x32xf32, #tpu.memory_space<vmem>>, vector<8192x32xf32>
    tpu.vector_store %arg3[%swap3A, %swap3A_6], %add3A {strides = array<i32>} : memref<8192x32xf32, #tpu.memory_space<vmem>>, vector<8192x32xf32>,
    %sub3A_8 = arith.subf %convert_element_type3A_5, %get3A_1 : vector<8192x32xf32>
    %integer_pow3A = arith.mulf %sub3A_8, %sub3A_8 : vector<8192x32xf32>
    %reduce_sum3A = vector.shape_cast %integer_pow3A : vector<8192x32xf32> to vector<1x8192x32xf32>
    %reduce_sum3A_9 = arith.constant dense<0.000000e+00> : vector<1xf32>
    %reduce_sum3A_10 = vector.multi_reduction <add>, %reduce_sum3A, %reduce_sum3A_9 [1, 2] : vector<1x8192x32xf32> to vector<1xf32>
    %reduce_sum3A_11 = vector.shape_cast %reduce_sum3A_10 : vector<1xf32> to vector<1x1x1xf32>
    %reduce_sum3A_12 = vector.extract %reduce_sum3A_11[0, 0, 0] : f32 from vector<1x1x1xf32>
    %div3A = arith.constant 2.621440e+05 : f32
    %div3A_13 = arith.divf %reduce_sum3A_12, %div3A : f32
    %reshape3A = vector.broadcast %div3A_13 : f32 to vector<1x1xf32>
    %swap3A_14 = arith.constant 0 : index
    %swap3A_15 = arith.constant 0 : index
    %swap3A_16 = vector.load %arg5[%swap3A_14, %swap3A_15] : memref<1x1xf32, #tpu.memory_space<vmem>>, vector<1x1xf32>
    tpu.vector_store %arg5[%swap3A_14, %swap3A_15], %reshape3A {strides = array<i32>} : memref<1x1xf32, #tpu.memory_space<vmem>>, vector<1x1xf32>,
    %reshape3A_17 = vector.broadcast %div3A_13 : f32 to vector<1x1xf32>
    %swap3A_18 = arith.constant 0 : index
    %swap3A_19 = arith.constant 0 : index
    %swap3A_20 = vector.load %arg6[%swap3A_18, %swap3A_19] : memref<1x1xf32, #tpu.memory_space<vmem>>, vector<1x1xf32>
    tpu.vector_store %arg6[%swap3A_18, %swap3A_19], %reshape3A_17 {strides = array<i32>} : memref<1x1xf32, #tpu.memory_space<vmem>>, vector<1x1xf32>,
    %mul3A = arith.constant 2.500000e-01 : f32
    %mul3A_21 = arith.mulf %mul3A, %div3A_13 : f32
    %add3A_22 = arith.addf %div3A_13, %mul3A_21 : f32
    %reshape3A_23 = vector.broadcast %add3A_22 : f32 to vector<1x1xf32>
    %swap3A_24 = arith.constant 0 : index
    %swap3A_25 = arith.constant 0 : index
    %swap3A_26 = vector.load %arg4[%swap3A_24, %swap3A_25] : memref<1x1xf32, #tpu.memory_space<vmem>>, vector<1x1xf32>
    tpu.vector_store %arg4[%swap3A_24, %swap3A_25], %reshape3A_23 {strides = array<i32>} : memref<1x1xf32, #tpu.memory_space<vmem>>, vector<1x1xf32>,
    %get3A_27 = arith.constant 0 : index
    %get3A_28 = arith.constant 0 : index
    %get3A_29 = vector.load %arg2[%get3A_27, %get3A_28] : memref<1x8192xf32, #tpu.memory_space<vmem>>, vector<1x8192xf32>
    %div3A_30 = arith.constant 8.192000e+03 : f32
    %div3A_31 = vector.broadcast %div3A_30 : f32 to vector<1x8192xf32>
    %div3A_32 = arith.divf %get3A_29, %div3A_31 : vector<1x8192xf32>
    %add3A_33 = arith.constant 1.000000e-10 : f32
    %add3A_34 = vector.broadcast %add3A_33 : f32 to vector<1x8192xf32>
    %add3A_35 = arith.addf %div3A_32, %add3A_34 : vector<1x8192xf32>
    %log3A = math.log %add3A_35 : vector<1x8192xf32>
    %mul3A_36 = arith.mulf %div3A_32, %log3A : vector<1x8192xf32>
    %reduce_sum3A_37 = vector.shape_cast %mul3A_36 : vector<1x8192xf32> to vector<1x1x8192xf32>
    %reduce_sum3A_38 = arith.constant dense<0.000000e+00> : vector<1xf32>
    %reduce_sum3A_39 = vector.multi_reduction <add>, %reduce_sum3A_37, %reduce_sum3A_38 [1, 2] : vector<1x1x8192xf32> to vector<1xf32>
    %reduce_sum3A_40 = vector.shape_cast %reduce_sum3A_39 : vector<1xf32> to vector<1x1x1xf32>
    %reduce_sum3A_41 = vector.extract %reduce_sum3A_40[0, 0, 0] : f32 from vector<1x1x1xf32>
    %neg3A = arith.constant 0.000000e+00 : f32
    %neg3A_42 = arith.subf %neg3A, %reduce_sum3A_41 : f32
    %exp3A = math.exp %neg3A_42 : f32
    %reshape3A_43 = vector.broadcast %exp3A : f32 to vector<1x1xf32>
    %swap3A_44 = arith.constant 0 : index
    %swap3A_45 = arith.constant 0 : index
    %swap3A_46 = vector.load %arg7[%swap3A_44, %swap3A_45] : memref<1x1xf32, #tpu.memory_space<vmem>>, vector<1x1xf32>
    tpu.vector_store %arg7[%swap3A_44, %swap3A_45], %reshape3A_43 {strides = array<i32>} : memref<1x1xf32, #tpu.memory_space<vmem>>, vector<1x1xf32>,
    %gt3A = arith.constant 0.000000e+00 : f32
    %gt3A_47 = vector.broadcast %gt3A : f32 to vector<1x8192xf32>
    %gt3A_48 = arith.cmpf ogt, %get3A_29, %gt3A_47 : vector<1x8192xf32>
    %convert_element_type3A_49 = arith.extui %gt3A_48 : vector<1x8192xi1> to vector<1x8192xi32>
    %convert_element_type3A_50 = arith.sitofp %convert_element_type3A_49 : vector<1x8192xi32> to vector<1x8192xf32>
    %reduce_sum3A_51 = vector.shape_cast %convert_element_type3A_50 : vector<1x8192xf32> to vector<1x1x8192xf32>
    %reduce_sum3A_52 = arith.constant dense<0.000000e+00> : vector<1xf32>
    %reduce_sum3A_53 = vector.multi_reduction <add>, %reduce_sum3A_51, %reduce_sum3A_52 [1, 2] : vector<1x1x8192xf32> to vector<1xf32>
    %reduce_sum3A_54 = vector.shape_cast %reduce_sum3A_53 : vector<1xf32> to vector<1x1x1xf32>
    %reduce_sum3A_55 = vector.extract %reduce_sum3A_54[0, 0, 0] : f32 from vector<1x1x1xf32>
    %div3A_56 = arith.constant 8.192000e+03 : f32
    %div3A_57 = arith.divf %reduce_sum3A_55, %div3A_56 : f32
    %reshape3A_58 = vector.broadcast %div3A_57 : f32 to vector<1x1xf32>
    %swap3A_59 = arith.constant 0 : index
    %swap3A_60 = arith.constant 0 : index
    %swap3A_61 = vector.load %arg8[%swap3A_59, %swap3A_60] : memref<1x1xf32, #tpu.memory_space<vmem>>, vector<1x1xf32>
    tpu.vector_store %arg8[%swap3A_59, %swap3A_60], %reshape3A_58 {strides = array<i32>} : memref<1x1xf32, #tpu.memory_space<vmem>>, vector<1x1xf32>,
    return
  }
}

</mosaic_0001>

<sc_bundles>
// kernel: kernel.5.cloned.1.call-start
scs
__scs_entry_jumppad:
0x0: {  	(pc) =	sbr.rel $0x88, $3  }
0x1: {  	(tag) =	ssettag $0x0;
	lr =	simm.s32 $0x1  }
0x2: {  	[smem:$0x3F9F] =	sst lr;
	_ =	strace $0xD0000000  }
0x3: {  	_ = 	snop  }
0x4: {  	_ = 	snop  }
0x5: {  	_ = 	snop  }
0x6: {  	_ = 	snop  }
0x7: {  	_ = 	snop  }
__scs_overlays_trampoline_lowered:
0x8: {  	[smem:$0x3FAE] =	sst s0  }
0x9: {  	[smem:$0x3FAF] =	sst s1  }
0xa: {  	[smem:$0x3FB0] =	sst s2  }
0xb: {  	[smem:$0x3FB1] =	sst s3  }
0xc: {  	[smem:$0x3FB2] =	sst s4  }
0xd: {  	[smem:$0x3FB3] =	sst s5  }
0xe: {  	[smem:$0x3FB4] =	sst s6  }
0xf: {  	[smem:$0x3FB5] =	sst s7  }
0x10: {  	[smem:$0x3FB6] =	sst s8  }
0x11: {  	[smem:$0x3FB7] =	sst s9;
	s0 =	simm.s32 @!p0 $0x0  }
0x12: {  	s1 =	sld [smem:$0x3F9D];
	s0 =	simm.s32 @p0 $0x1  }
0x13: {  	[smem:$0x3FB8] =	sst s0;
	s0 =	simm.s32 @!p1 $0x0  }
0x14: {  	s2 =	sld [smem:$0x3F9C];
	s0 =	simm.s32 @p1 $0x1  }
0x15: {  	[smem:$0x3FB9] =	sst s0;
	s0 =	simm.s32 @!p2 $0x0  }
0x16: {  	s3 =	sld [smem:$0x3FDB];
	s0 =	simm.s32 @p2 $0x1  }
0x17: {  	s4 =	simm.s32 $0x1BF5;
	[smem:$0x3FBB] =	sst s0  }
0x18: {  	s0 =	sld [smem:$0x3F9E];
	_ =	swait.ge [sflag:s4], $0x0  }
0x19: {  	s7 =	sld [smem:$0x3F9F]  }
0x1a: {  	s8 =	sadd.s32 $0xFFFFE003, lr  }
0x1b: {  	s9 =	sadd.s32 $0xFFFFFEF7, lr;
	s5 =	simm.s32 $0xFFFFFFFF;
	p2 =	slt.u32 s8, $0xFFFFF086  }
0x1c: {  	p1 =	slt.u32 s9, $0xF7A;
	s5 =	simm.s32 @!p2 $0x0  }
0x1d: {  	s5 =	simm.s32 @p1 $0x1;
	p0 =	seq.s32 s7, s2  }
0x1e: {  	s7 =	smul.u32 @!p0 $0xF7A, s2;
	p2 =	seq.s32 @!p0 s5, $0x0  }
0x1f: {  	s9 =	smul.u32 $0xF7A, s1;
	s8 =	simm.s32 @!p0 $0x1BF5;
	p2 =	por !p2, p0  }
0x20: {  	[sflag:s8] =	ssyncset.s32 @!p0 $0xFFFFF086;
	s6 =	sadd.s32 @!p0 s3, s7;
	s7 =	simm.s32 @!p0 $0x108  }
0x21: {  	s3 =	sadd.s32 s3, s9;
	s6 =	sadd.s32 @!p0 $0x88, s6;
	s7 =	simm.s32 @p2 $0x1082  }
0x22: {  	[simem:s7], [sflag:s8] =	dma.local @!p0 [hbm:s6], $0xF7A  }
0x23: {  	s9 =	sor.u32 $0xD0000000, s2;
	s6 =	simm.s32 $0x108;
	_ =	swait.ge @!p0 [sflag:s8], $0x0  }
0x24: {  	s3 =	sadd.s32 $0x88, s3;
	s6 =	simm.s32 @!p1 $0x1082;
	[sflag:s4] =	ssyncset.s32 $0xFFFFF086  }
0x25: {  	[simem:s6], [sflag:s4] =	dma.local [hbm:s3], $0xF7A  }
0x26: {  	[smem:$0x3F9F] =	sst s1;
	(tag) =	ssettag s2;
	_ =	strace s9  }
0x27: {  	s1 =	sld [smem:$0x3FAF]  }
0x28: {  	s2 =	sld [smem:$0x3FB0]  }
0x29: {  	s4 =	sld [smem:$0x3FB2]  }
0x2a: {  	p0 =	seq.s32 s5, $0x0;
	s5 =	sld [smem:$0x3FB3]  }
0x2b: {  	s6 =	sld [smem:$0x3FB4]  }
0x2c: {  	s7 =	sld [smem:$0x3FB5]  }
0x2d: {  	s3 =	simm.s32 $0x108;
	s8 =	sld [smem:$0x3FB6]  }
0x2e: {  	s3 =	simm.s32 @!p0 $0x1082;
	s9 =	sld [smem:$0x3FB7]  }
0x2f: {  	lr =	sadd.s32 s0, s3;
	s0 =	sld [smem:$0x3FAE]  }
0x30: {  	s3 =	sld [smem:$0x3FB1]  }
0x31: {  	[smem:$0x3FBA] =	sst s10  }
0x32: {  	s10 =	sld [smem:$0x3FB8];
	_ =	sdelay $0x3  }
0x33: {  	p0 =	seq.s32 s10, $0x1;
	s10 =	sld [smem:$0x3FBA];
	_ =	sdelay $0x3  }
0x34: {  	[smem:$0x3FBA] =	sst s10  }
0x35: {  	s10 =	sld [smem:$0x3FB9];
	_ =	sdelay $0x3  }
0x36: {  	p1 =	seq.s32 s10, $0x1;
	s10 =	sld [smem:$0x3FBA];
	_ =	sdelay $0x3  }
0x37: {  	[smem:$0x3FBA] =	sst s10  }
0x38: {  	s10 =	sld [smem:$0x3FBB]  }
0x39: {  	_ = 	snop;
	(pc) =	sbr.ind lr, $3  }
0x3a: {  	_ = 	snop  }
0x3b: {  	_ = 	snop  }
0x3c: {  	p2 =	seq.s32 s10, $0x1;
	s10 =	sld [smem:$0x3FBA]  }
0x3d: {  	_ =	shalt  }
0x3e: {  	_ =	shalt  }
0x3f: {  	_ =	shalt  }
0x40: {  	_ =	shalt  }
0x41: {  	_ =	shalt  }
0x42: {  	_ =	shalt  }
0x43: {  	_ =	shalt  }
0x44: {  	_ =	shalt  }
0x45: {  	_ =	shalt  }
0x46: {  	_ =	shalt  }
0x47: {  	_ =	shalt  }
0x48: {  	_ =	shalt  }
0x49: {  	_ =	shalt  }
0x4a: {  	_ =	shalt  }
0x4b: {  	_ =	shalt  }
0x4c: {  	_ =	shalt  }
0x4d: {  	_ =	shalt  }
0x4e: {  	_ =	shalt  }
0x4f: {  	_ =	shalt  }
0x50: {  	_ =	shalt  }
0x51: {  	_ =	shalt  }
0x52: {  	_ =	shalt  }
0x53: {  	_ =	shalt  }
0x54: {  	_ =	shalt  }
0x55: {  	_ =	shalt  }
0x56: {  	_ =	shalt  }
0x57: {  	_ =	shalt  }
0x58: {  	_ =	shalt  }
0x59: {  	_ =	shalt  }
0x5a: {  	_ =	shalt  }
0x5b: {  	_ =	shalt  }
0x5c: {  	_ =	shalt  }
0x5d: {  	_ =	shalt  }
0x5e: {  	_ =	shalt  }
0x5f: {  	_ =	shalt  }
0x60: {  	_ =	shalt  }
0x61: {  	_ =	shalt  }
0x62: {  	_ =	shalt  }
0x63: {  	_ =	shalt  }
0x64: {  	_ =	shalt  }
0x65: {  	_ =	shalt  }
0x66: {  	_ =	shalt  }
0x67: {  	_ =	shalt  }
0x68: {  	_ =	shalt  }
0x69: {  	_ =	shalt  }
0x6a: {  	_ =	shalt  }
0x6b: {  	_ =	shalt  }
0x6c: {  	_ =	shalt  }
0x6d: {  	_ =	shalt  }
0x6e: {  	_ =	shalt  }
0x6f: {  	_ =	shalt  }
0x70: {  	_ =	shalt  }
0x71: {  	_ =	shalt  }
0x72: {  	_ =	shalt  }
0x73: {  	_ =	shalt  }
0x74: {  	_ =	shalt  }
0x75: {  	_ =	shalt  }
0x76: {  	_ =	shalt  }
0x77: {  	_ =	shalt  }
0x78: {  	_ =	shalt  }
0x79: {  	_ =	shalt  }
0x7a: {  	_ =	shalt  }
0x7b: {  	_ =	shalt  }
0x7c: {  	_ =	shalt  }
0x7d: {  	_ =	shalt  }
0x7e: {  	_ =	shalt  }
0x7f: {  	_ =	shalt  }
0x80: {  	_ =	shalt  }
0x81: {  	_ =	shalt  }
0x82: {  	_ =	shalt  }
0x83: {  	_ =	shalt  }
0x84: {  	_ =	shalt  }
0x85: {  	_ =	shalt  }
0x86: {  	_ =	shalt  }
0x87: {  	_ =	shalt  }
.Lfunc_end0:
.L_simem_size_0:
called_computation_lowered:
.L_overlay_start_0:
0x88: {  	s2 =	sld [smem:$0x3FD9]  }
0x89: {  	s3 =	sld [smem:$0x3FFE];
	_ =	sdelay $0x1  }
0x8a: {  	s1 =	srdreg.scid  }
0x8b: {  	s0 =	sand.u32 $0x1, s1  }
0x8c: {  	s14 =	sshll.u32 s0, $0xA;
	s2 =	sadd.s32 s3, s2  }
0x8d: {  	s2 =	sadd.s32 s2, s14  }
0x8e: {  	[smem:$0x3FC6] =	sst s2  }
0x8f: {  	_ = 	snop  }
0x90: {  	s2 =	sld [smem:$0x3FD0];
	_ =	sdelay $0x2  }
0x91: {  	s15 =	simm.s32 $0xA;
	s4 =	simm.s32 $0x10  }
0x92: {  	[smem:s4], [sflag:s15] =	dma.local [hbm:s2], $0x1  }
0x93: {  	_ =	swait.eq [sflag:s15], $0x1  }
0x94: {  	[sflag:s15] =	ssyncset.done $0x0  }
0x95: {  	[sflag:s15] =	ssyncadd.s32 $0xFFFFFFFF  }
0x96: {  	s16 =	sld [smem:$0x11];
	(tm) =	ssettm $0x1  }
0x97: {  	s17 =	sld [smem:$0x3FFB];
	_ =	sdelay $0x3  }
0x98: {  	_ =	strace s17  }
0x99: {  	s3 =	sld [smem:$0x3FFC];
	_ =	sdelay $0x3  }
0x9a: {  	_ =	strace s3  }
0x9b: {  	s3 =	sld [smem:$0x3FFD];
	_ =	sdelay $0x3  }
0x9c: {  	_ =	strace s3  }
0x9d: {  	_ =	strace $0x8FFFFFFF  }
0x9e: {  	s18 =	sld [smem:$0x3FDB];
	_ =	sdelay $0x1  }
0x9f: {  	s19 =	simm.s32 $_scs_section_size  }
0xa0: {  	s5 =	simm.s32 $_size__tile_overlayer_lowered;
	s6 =	simm.s32 $_tile_overlayer_lowered  }
0xa1: {  	s22 =	simm.s32 $0x1BFF;
	s21 =	sshll.u32 s6, $0x1;
	s3 =	sadd.s32 s19, s18  }
0xa2: {  	s7 =	simm.s32 $0x0;
	s20 =	sshll.u32 s5, $0x1;
	s5 =	sadd.s32 s21, s3  }
0xa3: {  	[timem:s7], [sflag:s22] =	dma.local [hbm:s5], s20  }
0xa4: {  	_ =	swait.ge [sflag:s22], s20  }
0xa5: {  	s4 =	ssub.s32 $0x0, s20;
	[sflag:s22] =	ssyncset.done $0x0  }
0xa6: {  	[sflag:s22] =	ssyncadd.s32 s4;
	_ =	sdelay $0x1  }
0xa7: {  	s23 =	simm.s32 $0x1B8B  }
0xa8: {  	_ =	swait.ge [sflag:s23], $0x1  }
0xa9: {  	[sflag:s23] =	ssyncset.done $0x0  }
0xaa: {  	s25 =	simm.s32 $0x1B8E;
	s24 =	sld [smem:$0x3FFE];
	[sflag:s23] =	ssyncadd.s32 $0xFFFFFFFF  }
0xab: {  	s26 =	simm.s32 $execute0_lowered;
	[smem:$0x3FD2] =	sst s25  }
0xac: {  	s5 =	sshll.u32 s26, $0x1;
	_ =	strace $0x80000046;
	[dreg:$0x1] =	wrdreg $0xFFFFFFFF  }
0xad: {  	s28 =	simm.s32 $_size_execute0_lowered;
	s3 =	sadd.s32 s3, s5;
	[dreg:$0x0] =	wrdreg $0x0  }
0xae: {  	s5 =	sshll.u32 s28, $0x1;
	[dreg:$0x2] =	wrdreg s3  }
0xaf: {  	[dreg:$0x3] =	wrdreg s5  }
0xb0: {  	[dreg:$0x4] =	wrdreg $0xC0  }
0xb1: {  	_ =	task [dreg:s7], $0x5FFFF  }
0xb2: {  	[dreg:$0x1] =	wrdreg $0xFFFFFFFF  }
0xb3: {  	[dreg:$0x0] =	wrdreg $0x60  }
0xb4: {  	[dreg:$0x2] =	wrdreg s24  }
0xb5: {  	[dreg:$0x3] =	wrdreg s16  }
0xb6: {  	[dreg:$0x4] =	wrdreg $0x9  }
0xb7: {  	_ =	task.clear_ibuf [dreg:s7], $0x5FFFF;
	_ =	strace $0x90000046  }
0xb8: {  	s29 =	simm.s32 $0x9;
	_ =	strace $0x80000048  }
0xb9: {  	_ =	swait.ge [sflag:s29], $0x1  }
0xba: {  	[sflag:s29] =	ssyncadd.s32 $0xFFFFFFFF  }
0xbb: {  	_ =	strace $0x90000048  }
0xbc: {  	_ =	sfence  }
0xbd: {  	s30 =	sld [smem:$0x0];
	_ =	sdelay $0x2  }
0xbe: {  	s31 =	sshll.u32 s1, $0xD;
	s1 =	sshrl.u32 s1, $0x2  }
0xbf: {  	s3 =	sand.u32 $0x4000, s31;
	s1 =	sadd.s32 s1, s30  }
0xc0: {  	s0 =	sor.u32 s3, s0;
	s1 =	sshll.u32 s1, $0x11  }
0xc1: {  	s0 =	sor.u32 s1, s0  }
0xc2: {  	s0 =	sadd.s32 $0x8F2B, s0  }
0xc3: {  	[sflag:s0] =	ssyncadd.remote.s32 $0x1  }
0xc4: {  	_ =	sfence.sel $0xFFFF  }
0xc5: {  	[dreg:$0x0] =	wrdreg $0xFFFFFFFF;
	(pc) =	sbr.abs _section_cstart, $3  }
0xc6: {  	[dreg:$0x1] =	wrdreg $0xFFFFFFFF  }
0xc7: {  	_ =	task.clear_ibuf [dreg:s7], $0x2FFFF;
	_ =	strace $0x9FFFFFFF  }
0xc8: {  	(tm) =	ssettm $0x7FFFFFFF  }
0xc9: {  	_ =	shalt  }
tec
execute0_lowered:
.L_overlay_start_1:
0x0: {  	(tag) =	ssettag $0x1  }
0x1: {  	s1 =	srdreg.scid  }
0x2: {  	s8 =	rddreg [dreg:$0x0];
	s0 =	stileid.u32  }
0x3: {  	s3 =	rddreg [dreg:$0x1];
	s2 =	simm.s32 $0x0;
	s6 =	sand.u32 $0x1, s1  }
0x4: {  	s4 =	sshll.u32 s0, $0x9;
	s1 =	rddreg [dreg:$0x2];
	s5 =	sshll.u32 s6, $0x8  }
0x5: {  	s7 =	simm.s32 $0x1;
	[smem:$0x7FF] =	sst s2;
	s9 =	sor.u32 s5, s4  }
0x6: {  	_ =	strace $0x80000047;
	s10 =	ssub.s32 $0x2, s6;
	s4 =	sshrl.u32 s9, $0x3  }
0x7: {  	s6 =	simm.s32 $0x100;
	s4 =	sadd.s32 s3, s4;
	s3 =	simm.s32 $0x2  }
0x8: {  	[tilespmem:s2], [sflag:$0x2] =	stream.linear.gather [hbm4b:s4+s2], $0x100, $0x38;
	[tilespmem:$0x8100] =	vst v63  }
0x9: {  	s5 =	sadd.s32 $0x200, s8;
	s11 =	sshrl.u32 s10, $0x1;
	_ =	swait.ge [sflag:s3], $0x100  }
0xa: {  	s9 =	sshll.u32 s9, $0x4;
	s31 =	ssub.s32 s10, s11;
	[sflag:s3] =	ssyncset.done $0x0  }
0xb: {  	s8 =	sadd.s32 s9, s8;
	s9 =	smax.u32 s31, $0x1;
	[sflag:s3] =	ssyncadd.s32 $0xFFFFFF00  }
0xc: {  	[tilespmem:s6], [sflag:$0x1] =	stream.indirect.gather [hbm4b:s5+s6], $0x80, s2, s6, $0xb8;
	[tilespmem:$0x8100] =	vst v63  }
0xd: {  	p0 =	sne.s32 s9, $0x1;
	_ =	swait.ge [sflag:s7], $0x8000  }
.Ltmp0:
0xe: {  	[sflag:s7] =	ssyncset.done $0x0;
	(pc) =	sbr.rel @!p0 .LBB2_2-.Ltmp0, $4  }
0xf: {  	s8 =	sadd.s32 $0x20200, s8;
	[sflag:s7] =	ssyncadd.s32 $0xFFFF8000  }
0x10: {  	[hbm4b:s8+s2] =	stream.linear.scatter [tilespmem:s6], [sflag:$0x2], $0x8000, $0x38;
	[tilespmem:$0x8100] =	vst v63  }
0x11: {  	_ =	swait.ge [sflag:s3], $0x8000  }
0x12: {  	s9 =	sadd.s32 $0xFFFFFFFF, s9;
	[sflag:s3] =	ssyncset.done $0x0  }
.LBB2_1:
0x13: {  	p0 =	sne.s32 s9, $0x1;
	s9 =	sadd.s32 $0xFFFFFFFF, s9;
	[sflag:s3] =	ssyncadd.s32 $0xFFFF8000  }
0x14: {  	[tilespmem:s2], [sflag:$0x2] =	stream.linear.gather [hbm4b:s4+s2], $0x100, $0x38;
	[tilespmem:$0x8100] =	vst v63  }
0x15: {  	_ =	swait.ge [sflag:s3], $0x100  }
0x16: {  	[sflag:s3] =	ssyncset.done $0x0  }
0x17: {  	[sflag:s3] =	ssyncadd.s32 $0xFFFFFF00  }
0x18: {  	[tilespmem:s6], [sflag:$0x1] =	stream.indirect.gather [hbm4b:s5+s6], $0x80, s2, s6, $0xb8;
	[tilespmem:$0x8100] =	vst v63  }
0x19: {  	_ =	swait.ge [sflag:s7], $0x8000  }
.Ltmp1:
0x1a: {  	[sflag:s7] =	ssyncset.done $0x0;
	(pc) =	sbr.rel @p0 .LBB2_1-.Ltmp1, $4  }
0x1b: {  	[sflag:s7] =	ssyncadd.s32 $0xFFFF8000  }
0x1c: {  	[hbm4b:s8+s2] =	stream.linear.scatter [tilespmem:s6], [sflag:$0x2], $0x8000, $0x38;
	[tilespmem:$0x8100] =	vst v63  }
0x1d: {  	_ =	swait.ge [sflag:s3], $0x8000  }
0x1e: {  	[sflag:s3] =	ssyncset.done $0x0  }
.LBB2_2:
0x1f: {  	[sflag:s3] =	ssyncadd.s32 $0xFFFF8000  }
0x20: {  	_ =	sfence.sel $0x180000  }
0x21: {  	[bflag:$0x0] =	sbarrier.arrive $0xFFFF  }
0x22: {  	p0 =	sne.s32 s0, $0x0;
	_ =	strace $0x90000047  }
0x23: {  	s0 =	sadd.s32 @!p0 $0x100000, s1;
	[bflag:$0x2] =	sbarrier.arrive $0xFFFF  }
0x24: {  	[sflag:s0] =	ssyncadd.tile.s32 @!p0 $0x1;
	_ =	shalt  }
.Lfunc_end2:
_tile_overlayer_lowered:
.L_overlay_start_2:
0x25: {  	(tag) =	ssettag $0x2  }
0x26: {  	s0 =	rddreg [dreg:$0x0];
	s2 =	stileid.u32  }
0x27: {  	s1 =	rddreg [dreg:$0x1];
	p0 =	sne.s32 s2, $0x0  }
0x28: {  	s3 =	rddreg [dreg:$0x2];
	[bflag:$0x3] =	sbarrier.arrive $0xFFFF;
	s2 =	simm.s32 @!p0 $0x1C02  }
0x29: {  	[timem:s3], [sflag:s2] =	dma.local @!p0 [hbm:s0], s1  }
0x2a: {  	s0 =	simm.s32 @!p0 $0x2  }
0x2b: {  	_ =	swait.ge @!p0 [sflag:s0], s1  }
0x2c: {  	s1 =	ssub.s32 @!p0 $0x0, s1;
	[sflag:s0] =	ssyncset.done @!p0 $0x0  }
0x2d: {  	[sflag:s0] =	ssyncadd.s32 @!p0 s1  }
0x2e: {  	[bflag:$0x3] =	sbarrier.arrive $0xFFFF  }
0x2f: {  	_ =	shalt  }

</sc_bundles>
